<compile_context>
chip_gen: v7x
topology: tpu7x:2x2x1
jax: 0.10.2.dev20260603
libtpu: 0.0.44.dev20260713+nightly
codegen_flags: <defaults>
</compile_context>

<pallas_src>
import functools

import jax
import jax.numpy as jnp
import numpy as np
from jax import lax
from jax.experimental import pallas as pl
from jax.experimental.pallas import tpu as pltpu
from jax.experimental.pallas import tpu_sc as plsc

NUM_GROUPS = 4
EPS = 1e-5

_NC = 2
_NS = 16
_CHUNK = 80


def _sc_scatter_fn(N, C, E):
    n_workers = _NC * _NS
    assert E % (n_workers * _CHUNK) == 0, "edge count must split evenly"
    edges_per_tile = E // n_workers
    n_steps = edges_per_tile // _CHUNK
    assert N % 8 == 0
    rows_main = (N // (_NS * 8)) * 8
    rem = N - rows_main * _NS
    zrows = next(z for z in (256, 248, 240, 232, 224, 216, 208, 200, 192,
                             184, 176, 168, 160, 152, 144, 136, 128, 120,
                             112, 104, 96, 88, 80, 72, 64, 56, 48, 40, 32,
                             24, 16, 8)
                 if rows_main % z == 0)
    n_zcopies = rows_main // zrows
    assert rem % 8 == 0 and rem <= zrows

    mesh = plsc.VectorSubcoreMesh(core_axis_name="c", subcore_axis_name="s")

    @functools.partial(
        pl.kernel,
        out_type=jax.ShapeDtypeStruct((_NC, N, C), jnp.float32),
        mesh=mesh,
        scratch_types=[
            pltpu.VMEM((_CHUNK,), jnp.int32),
            pltpu.VMEM((_CHUNK,), jnp.int32),
            pltpu.VMEM((_CHUNK, C), jnp.float32),
            pltpu.VMEM((zrows, C), jnp.float32),
            pltpu.SemaphoreType.DMA,
            pltpu.VMEM_SHARED((N, C), jnp.float32),
        ],
    )
    def sc_kernel(data_hbm, src_hbm, dst_hbm, out_hbm,
                  idx_s, idx_d, rows, zbuf, sem, agg):
        c = lax.axis_index("c")
        s = lax.axis_index("s")

        zv = jnp.zeros((16,), jnp.float32)

        def zstore(i, carry):
            zbuf[i // (C // 16), pl.ds((i % (C // 16)) * 16, 16)] = zv
            return carry

        lax.fori_loop(0, zrows * (C // 16), zstore, 0)
        row0 = s * rows_main
        for j in range(n_zcopies):
            pltpu.sync_copy(zbuf, agg.at[pl.ds(row0 + j * zrows, zrows)])
        if rem:
            @pl.when(s == 0)
            def _():
                pltpu.sync_copy(zbuf.at[pl.ds(0, rem)],
                                agg.at[pl.ds(_NS * rows_main, rem)])
        plsc.subcore_barrier()

        base = (c * _NS + s) * edges_per_tile

        def step(k, carry):
            off = pl.multiple_of(base + k * _CHUNK, _CHUNK)
            pltpu.sync_copy(src_hbm.at[pl.ds(off, _CHUNK)], idx_s)
            pltpu.sync_copy(dst_hbm.at[pl.ds(off, _CHUNK)], idx_d)
            pltpu.async_copy(data_hbm.at[idx_s], rows, sem).wait()
            pltpu.sync_copy(rows, agg.at[idx_d], add=True)
            return carry

        lax.fori_loop(0, n_steps, step, 0)
        plsc.subcore_barrier()

        for j in range(n_zcopies):
            r = row0 + j * zrows
            pltpu.sync_copy(agg.at[pl.ds(r, zrows)], out_hbm.at[c, pl.ds(r, zrows)])
        if rem:
            @pl.when(s == 0)
            def _():
                r = _NS * rows_main
                pltpu.sync_copy(agg.at[pl.ds(r, rem)], out_hbm.at[c, pl.ds(r, rem)])

    return sc_kernel


def _tc_body(x_ref, p_ref, wr_ref, wn_ref, pm_ref, b_ref, g_ref, bt_ref, o_ref):
    x = x_ref[...]
    agg = p_ref[0] + p_ref[1]
    y = jnp.dot(x, wr_ref[...], preferred_element_type=jnp.float32)
    y = y + jnp.dot(agg, wn_ref[...], preferred_element_type=jnp.float32)
    y = y + b_ref[...]
    pm = pm_ref[...]
    m = jnp.dot(y, pm, preferred_element_type=jnp.float32)
    q = jnp.dot(y * y, pm, preferred_element_type=jnp.float32)
    yn = (y - m) * lax.rsqrt(q - m * m + EPS)
    o_ref[...] = jnp.maximum(yn * g_ref[...] + bt_ref[...], 0.0)


def kernel(data, edge_index, depth, W_root, W_nbr, b, gamma, beta):
    del depth
    N, C = data.shape
    E = edge_index.shape[1]
    src = edge_index[0]
    dst = edge_index[1]

    partials = _sc_scatter_fn(N, C, E)(data, src, dst)

    gsz = C // NUM_GROUPS
    pm = jnp.asarray(np.kron(np.eye(NUM_GROUPS, dtype=np.float32),
                             np.full((gsz, gsz), 1.0 / gsz, dtype=np.float32)))

    blk = 1000
    assert N % blk == 0
    out = pl.pallas_call(
        _tc_body,
        grid=(N // blk,),
        in_specs=[
            pl.BlockSpec((blk, C), lambda i: (i, 0)),
            pl.BlockSpec((_NC, blk, C), lambda i: (0, i, 0)),
            pl.BlockSpec((C, C), lambda i: (0, 0)),
            pl.BlockSpec((C, C), lambda i: (0, 0)),
            pl.BlockSpec((C, C), lambda i: (0, 0)),
            pl.BlockSpec((1, C), lambda i: (0, 0)),
            pl.BlockSpec((1, C), lambda i: (0, 0)),
            pl.BlockSpec((1, C), lambda i: (0, 0)),
        ],
        out_specs=pl.BlockSpec((blk, C), lambda i: (i, 0)),
        out_shape=jax.ShapeDtypeStruct((N, C), jnp.float32),
    )(data, partials, W_root, W_nbr, pm,
      b.reshape(1, C), gamma.reshape(1, C), beta.reshape(1, C))
    return out

# --- scband reference (transcript-rebuilt; emitter-appended) ---
"""Pipeline reference for scband-graph-conv-bn-relu-45655502356536 (READ-ONLY COPY).

The authoritative reference and input builder live on the scoring server;
editing this copy changes nothing except your own understanding.
"""

import jax, jax.numpy as jnp
import numpy as np

N_NODES = 10000
N_EDGES = 320000
C = 128
NUM_GROUPS = 4
BN_EPS = 1e-5


def setup_inputs(seed: int = 0) -> dict:
    key = jax.random.key(seed)
    ks = jax.random.split(key, 8)
    data = jax.random.normal(ks[0], (N_NODES, C), dtype=jnp.float32)
    edge_index = jax.random.randint(ks[1], (2, N_EDGES), 0, N_NODES, dtype=jnp.int32)
    scale = 1.0 / np.sqrt(C)
    W_root = jax.random.normal(ks[2], (C, C), dtype=jnp.float32) * scale
    W_nbr = jax.random.normal(ks[3], (C, C), dtype=jnp.float32) * scale
    b = jnp.zeros((C,), dtype=jnp.float32)
    gamma = jnp.ones((C,), dtype=jnp.float32)
    beta = jnp.zeros((C,), dtype=jnp.float32)
    return {"data": data, "edge_index": edge_index, "depth": 2,
            "W_root": W_root, "W_nbr": W_nbr, "b": b,
            "gamma": gamma, "beta": beta}


def _group_norm(x, gamma, beta, num_groups=NUM_GROUPS, eps=BN_EPS):
    n, c = x.shape
    xg = x.reshape(n, num_groups, c // num_groups)
    mean = jnp.mean(xg, axis=2, keepdims=True)
    var = jnp.var(xg, axis=2, keepdims=True)
    xg = (xg - mean) * jax.lax.rsqrt(var + eps)
    x = xg.reshape(n, c)
    return x * gamma + beta


def reference(data, edge_index, depth, W_root, W_nbr, b, gamma, beta):
    # GraphConv at level `depth` of the hierarchical graph (edges given for that level):
    # out = x @ W_root + (sum_{j in N(i)} x_j) @ W_nbr + b, then GroupNorm(4) + ReLU
    src = edge_index[0]
    dst = edge_index[1]
    msgs = jnp.take(data, src, axis=0)
    agg = jax.ops.segment_sum(msgs, dst, num_segments=data.shape[0])
    out = data @ W_root + agg @ W_nbr + b
    out = _group_norm(out, gamma, beta)
    return jax.nn.relu(out)

if __name__ == "__main__":
    import jax
    _d = setup_inputs()
    print(jax.jit(kernel)(*tuple(_d.values())))

</pallas_src>

<mosaic_0001>
#map = affine_map<(d0, d1) -> (0, 0)>
#map1 = affine_map<(d0, d1) -> (0)>
#map2 = affine_map<(d0, d1) -> (0, 0, 0)>
module attributes {stable_mosaic.version = 14 : i64} {
  func.func @sc_kernel(%arg0: i32, %arg1: i32, %arg2: memref<10000x128xf32, #tpu.memory_space<hbm>>, %arg3: memref<320000xi32, #tpu.memory_space<hbm>>, %arg4: memref<320000xi32, #tpu.memory_space<hbm>>, %arg5: memref<2x10000x128xf32, #tpu.memory_space<hbm>>, %arg6: memref<80xi32, #tpu.memory_space<vmem>>, %arg7: memref<80xi32, #tpu.memory_space<vmem>>, %arg8: memref<80x128xf32, #tpu.memory_space<vmem>>, %arg9: memref<208x128xf32, #tpu.memory_space<vmem>>, %arg10: memref<!tpu.dma_semaphore, #tpu.memory_space<semaphore_mem>>, %arg11: memref<10000x128xf32, #tpu.memory_space<vmem_shared>>) attributes {dimension_semantics = [#tpu.dimension_semantics<core_parallel>, #tpu.dimension_semantics<subcore_parallel>], iteration_bounds = array<i64: 2, 16>, scalar_prefetch = 0 : i64, scratch_operands = 6 : i64, tpu.core_type = #tpu.core_type<sc_vector_subcore>, window_params = [{transform_indices = #map}, {transform_indices = #map1}, {transform_indices = #map1}, {transform_indices = #map2}]} {
    %broadcast_in_dim3A = arith.constant 0.000000e+00 : f32
    %broadcast_in_dim3A_0 = vector.broadcast %broadcast_in_dim3A : f32 to vector<16xf32>
    %scan3A = arith.constant 0 : i32
    %scan3A_1 = arith.constant 0 : i32
    %scan3A_2 = arith.constant 1664 : i32
    %scan3A_3 = arith.addi %scan3A_1, %scan3A_2 : i32
    %scan3A_4 = arith.constant 1 : i32
    scf.for %scan3A_37 = %scan3A_1 to %scan3A_3 step %scan3A_4  : i32 {
      %jit3A = arith.constant 8 : i32
      %div3A = arith.divsi %scan3A_37, %jit3A : i32
      %sign3A = arith.constant 0 : i32
      %sign3A_38 = arith.cmpi sgt, %scan3A_37, %sign3A : i32
      %sign3A_39 = arith.extui %sign3A_38 : i1 to i32
      %sign3A_40 = arith.constant 0 : i32
      %sign3A_41 = arith.cmpi slt, %scan3A_37, %sign3A_40 : i32
      %sign3A_42 = arith.extui %sign3A_41 : i1 to i32
      %sign3A_43 = arith.subi %sign3A_39, %sign3A_42 : i32
      %sign3A_44 = arith.constant 0 : i32
      %sign3A_45 = arith.cmpi sgt, %jit3A, %sign3A_44 : i32
      %sign3A_46 = arith.extui %sign3A_45 : i1 to i32
      %sign3A_47 = arith.constant 0 : i32
      %sign3A_48 = arith.cmpi slt, %jit3A, %sign3A_47 : i32
      %sign3A_49 = arith.extui %sign3A_48 : i1 to i32
      %sign3A_50 = arith.subi %sign3A_46, %sign3A_49 : i32
      %ne3A = arith.cmpi ne, %sign3A_43, %sign3A_50 : i32
      %rem3A = arith.remsi %scan3A_37, %jit3A : i32
      %ne3A_51 = arith.constant 0 : i32
      %ne3A_52 = arith.cmpi ne, %rem3A, %ne3A_51 : i32
      %and3A = arith.andi %ne3A, %ne3A_52 : i1
      %sub3A = arith.constant 1 : i32
      %sub3A_53 = arith.subi %div3A, %sub3A : i32
      %select_n3A = arith.select %and3A, %sub3A_53, %div3A : i32
      %jit3A_54 = arith.constant 8 : i32
      %eq3A_55 = arith.constant 0 : i32
      %eq3A_56 = arith.cmpi eq, %jit3A_54, %eq3A_55 : i32
      %jit3A_57 = arith.constant 1 : i32
      %select_n3A_58 = arith.select %eq3A_56, %jit3A_57, %jit3A_54 : i32
      %rem3A_59 = arith.remsi %scan3A_37, %select_n3A_58 : i32
      %ne3A_60 = arith.constant 0 : i32
      %ne3A_61 = arith.cmpi ne, %rem3A_59, %ne3A_60 : i32
      %lt3A = arith.constant 0 : i32
      %lt3A_62 = arith.cmpi slt, %rem3A_59, %lt3A : i32
      %lt3A_63 = arith.constant 0 : i32
      %lt3A_64 = arith.cmpi slt, %select_n3A_58, %lt3A_63 : i32
      %ne3A_65 = arith.xori %lt3A_62, %lt3A_64 : i1
      %and3A_66 = arith.andi %ne3A_65, %ne3A_61 : i1
      %add3A_67 = arith.addi %rem3A_59, %select_n3A_58 : i32
      %select_n3A_68 = arith.select %and3A_66, %add3A_67, %rem3A_59 : i32
      %mul3A_69 = arith.constant 16 : i32
      %mul3A_70 = arith.muli %select_n3A_68, %mul3A_69 : i32
      %swap3A = arith.index_cast %select_n3A : i32 to index
      %swap3A_71 = arith.index_cast %mul3A_70 : i32 to index
      %swap3A_72 = tpu.vector_load %arg9[%swap3A, %swap3A_71] {strides = array<i32>} : memref<208x128xf32, #tpu.memory_space<vmem>>, vector<1x16xf32>,
      %swap3A_73 = vector.shape_cast %swap3A_72 : vector<1x16xf32> to vector<16xf32>
      %swap3A_74 = vector.shape_cast %broadcast_in_dim3A_0 : vector<16xf32> to vector<1x16xf32>
      tpu.vector_store %arg9[%swap3A, %swap3A_71], %swap3A_74 {strides = array<i32>} : memref<208x128xf32, #tpu.memory_space<vmem>>, vector<1x16xf32>,
    }
    %scan3A_5 = arith.constant 1664 : i32
    %mul3A = arith.constant 624 : i32
    %mul3A_6 = arith.muli %arg1, %mul3A : i32
    %add3A = arith.constant 0 : i32
    %add3A_7 = arith.addi %mul3A_6, %add3A : i32
    "tpu.region"() ({
      %run_scoped3A = tpu.sem_alloc : memref<!tpu.dma_semaphore, #tpu.memory_space<semaphore_mem>>
      %dma_start3A = arith.constant 0 : i32
      %dma_start3A_37 = tpu.memref_slice %arg11[%add3A_7, %dma_start3A] : memref<10000x128xf32, #tpu.memory_space<vmem_shared>> -> memref<208x128xf32, #tpu.memory_space<vmem_shared>>
      %dma_start3A_38 = arith.constant 0 : i32
      %dma_start3A_39 = tpu.memref_slice %arg11[%add3A_7, %dma_start3A_38] : memref<10000x128xf32, #tpu.memory_space<vmem_shared>> -> memref<208x128xf32, #tpu.memory_space<vmem_shared>>
      tpu.enqueue_dma source(%arg9 : memref<208x128xf32, #tpu.memory_space<vmem>>) target(%dma_start3A_39 : memref<208x128xf32, #tpu.memory_space<vmem_shared>>) target_semaphore(%run_scoped3A : memref<!tpu.dma_semaphore, #tpu.memory_space<semaphore_mem>>)
      %dma_wait3A = arith.constant 0 : i32
      %dma_wait3A_40 = tpu.memref_slice %arg11[%add3A_7, %dma_wait3A] : memref<10000x128xf32, #tpu.memory_space<vmem_shared>> -> memref<208x128xf32, #tpu.memory_space<vmem_shared>>
      %dma_wait3A_41 = arith.constant 0 : i32
      %dma_wait3A_42 = tpu.memref_slice %arg11[%add3A_7, %dma_wait3A_41] : memref<10000x128xf32, #tpu.memory_space<vmem_shared>> -> memref<208x128xf32, #tpu.memory_space<vmem_shared>>
      tpu.wait_dma2 semaphore(%run_scoped3A : memref<!tpu.dma_semaphore, #tpu.memory_space<semaphore_mem>>) src(%arg9 : memref<208x128xf32, #tpu.memory_space<vmem>>) dst(%dma_wait3A_42 : memref<208x128xf32, #tpu.memory_space<vmem_shared>>)
      tpu.yield
    }) : () -> ()
    %add3A_8 = arith.constant 208 : i32
    %add3A_9 = arith.addi %mul3A_6, %add3A_8 : i32
    "tpu.region"() ({
      %run_scoped3A = tpu.sem_alloc : memref<!tpu.dma_semaphore, #tpu.memory_space<semaphore_mem>>
      %dma_start3A = arith.constant 0 : i32
      %dma_start3A_37 = tpu.memref_slice %arg11[%add3A_9, %dma_start3A] : memref<10000x128xf32, #tpu.memory_space<vmem_shared>> -> memref<208x128xf32, #tpu.memory_space<vmem_shared>>
      %dma_start3A_38 = arith.constant 0 : i32
      %dma_start3A_39 = tpu.memref_slice %arg11[%add3A_9, %dma_start3A_38] : memref<10000x128xf32, #tpu.memory_space<vmem_shared>> -> memref<208x128xf32, #tpu.memory_space<vmem_shared>>
      tpu.enqueue_dma source(%arg9 : memref<208x128xf32, #tpu.memory_space<vmem>>) target(%dma_start3A_39 : memref<208x128xf32, #tpu.memory_space<vmem_shared>>) target_semaphore(%run_scoped3A : memref<!tpu.dma_semaphore, #tpu.memory_space<semaphore_mem>>)
      %dma_wait3A = arith.constant 0 : i32
      %dma_wait3A_40 = tpu.memref_slice %arg11[%add3A_9, %dma_wait3A] : memref<10000x128xf32, #tpu.memory_space<vmem_shared>> -> memref<208x128xf32, #tpu.memory_space<vmem_shared>>
      %dma_wait3A_41 = arith.constant 0 : i32
      %dma_wait3A_42 = tpu.memref_slice %arg11[%add3A_9, %dma_wait3A_41] : memref<10000x128xf32, #tpu.memory_space<vmem_shared>> -> memref<208x128xf32, #tpu.memory_space<vmem_shared>>
      tpu.wait_dma2 semaphore(%run_scoped3A : memref<!tpu.dma_semaphore, #tpu.memory_space<semaphore_mem>>) src(%arg9 : memref<208x128xf32, #tpu.memory_space<vmem>>) dst(%dma_wait3A_42 : memref<208x128xf32, #tpu.memory_space<vmem_shared>>)
      tpu.yield
    }) : () -> ()
    %add3A_10 = arith.constant 416 : i32
    %add3A_11 = arith.addi %mul3A_6, %add3A_10 : i32
    "tpu.region"() ({
      %run_scoped3A = tpu.sem_alloc : memref<!tpu.dma_semaphore, #tpu.memory_space<semaphore_mem>>
      %dma_start3A = arith.constant 0 : i32
      %dma_start3A_37 = tpu.memref_slice %arg11[%add3A_11, %dma_start3A] : memref<10000x128xf32, #tpu.memory_space<vmem_shared>> -> memref<208x128xf32, #tpu.memory_space<vmem_shared>>
      %dma_start3A_38 = arith.constant 0 : i32
      %dma_start3A_39 = tpu.memref_slice %arg11[%add3A_11, %dma_start3A_38] : memref<10000x128xf32, #tpu.memory_space<vmem_shared>> -> memref<208x128xf32, #tpu.memory_space<vmem_shared>>
      tpu.enqueue_dma source(%arg9 : memref<208x128xf32, #tpu.memory_space<vmem>>) target(%dma_start3A_39 : memref<208x128xf32, #tpu.memory_space<vmem_shared>>) target_semaphore(%run_scoped3A : memref<!tpu.dma_semaphore, #tpu.memory_space<semaphore_mem>>)
      %dma_wait3A = arith.constant 0 : i32
      %dma_wait3A_40 = tpu.memref_slice %arg11[%add3A_11, %dma_wait3A] : memref<10000x128xf32, #tpu.memory_space<vmem_shared>> -> memref<208x128xf32, #tpu.memory_space<vmem_shared>>
      %dma_wait3A_41 = arith.constant 0 : i32
      %dma_wait3A_42 = tpu.memref_slice %arg11[%add3A_11, %dma_wait3A_41] : memref<10000x128xf32, #tpu.memory_space<vmem_shared>> -> memref<208x128xf32, #tpu.memory_space<vmem_shared>>
      tpu.wait_dma2 semaphore(%run_scoped3A : memref<!tpu.dma_semaphore, #tpu.memory_space<semaphore_mem>>) src(%arg9 : memref<208x128xf32, #tpu.memory_space<vmem>>) dst(%dma_wait3A_42 : memref<208x128xf32, #tpu.memory_space<vmem_shared>>)
      tpu.yield
    }) : () -> ()
    %eq3A = arith.constant 0 : i32
    %eq3A_12 = arith.cmpi eq, %arg1, %eq3A : i32
    %convert_element_type3A = arith.extui %eq3A_12 : i1 to i32
    %cond3A = arith.constant 0 : i32
    %cond3A_13 = arith.cmpi ne, %convert_element_type3A, %cond3A : i32
    scf.if %cond3A_13 {
      "tpu.region"() ({
        %run_scoped3A = tpu.sem_alloc : memref<!tpu.dma_semaphore, #tpu.memory_space<semaphore_mem>>
        %dma_start3A = arith.constant 0 : i32
        %dma_start3A_37 = arith.constant 0 : i32
        %dma_start3A_38 = tpu.memref_slice %arg9[%dma_start3A, %dma_start3A_37] : memref<208x128xf32, #tpu.memory_space<vmem>> -> memref<16x128xf32, #tpu.memory_space<vmem>>
        %dma_start3A_39 = arith.constant 9984 : i32
        %dma_start3A_40 = arith.constant 0 : i32
        %dma_start3A_41 = tpu.memref_slice %arg11[%dma_start3A_39, %dma_start3A_40] : memref<10000x128xf32, #tpu.memory_space<vmem_shared>> -> memref<16x128xf32, #tpu.memory_space<vmem_shared>>
        %dma_start3A_42 = arith.constant 9984 : i32
        %dma_start3A_43 = arith.constant 0 : i32
        %dma_start3A_44 = tpu.memref_slice %arg11[%dma_start3A_42, %dma_start3A_43] : memref<10000x128xf32, #tpu.memory_space<vmem_shared>> -> memref<16x128xf32, #tpu.memory_space<vmem_shared>>
        %dma_start3A_45 = arith.constant 0 : i32
        %dma_start3A_46 = arith.constant 0 : i32
        %dma_start3A_47 = tpu.memref_slice %arg9[%dma_start3A_45, %dma_start3A_46] : memref<208x128xf32, #tpu.memory_space<vmem>> -> memref<16x128xf32, #tpu.memory_space<vmem>>
        tpu.enqueue_dma source(%dma_start3A_47 : memref<16x128xf32, #tpu.memory_space<vmem>>) target(%dma_start3A_44 : memref<16x128xf32, #tpu.memory_space<vmem_shared>>) target_semaphore(%run_scoped3A : memref<!tpu.dma_semaphore, #tpu.memory_space<semaphore_mem>>)
        %dma_wait3A = arith.constant 0 : i32
        %dma_wait3A_48 = arith.constant 0 : i32
        %dma_wait3A_49 = tpu.memref_slice %arg9[%dma_wait3A, %dma_wait3A_48] : memref<208x128xf32, #tpu.memory_space<vmem>> -> memref<16x128xf32, #tpu.memory_space<vmem>>
        %dma_wait3A_50 = arith.constant 9984 : i32
        %dma_wait3A_51 = arith.constant 0 : i32
        %dma_wait3A_52 = tpu.memref_slice %arg11[%dma_wait3A_50, %dma_wait3A_51] : memref<10000x128xf32, #tpu.memory_space<vmem_shared>> -> memref<16x128xf32, #tpu.memory_space<vmem_shared>>
        %dma_wait3A_53 = arith.constant 9984 : i32
        %dma_wait3A_54 = arith.constant 0 : i32
        %dma_wait3A_55 = tpu.memref_slice %arg11[%dma_wait3A_53, %dma_wait3A_54] : memref<10000x128xf32, #tpu.memory_space<vmem_shared>> -> memref<16x128xf32, #tpu.memory_space<vmem_shared>>
        %dma_wait3A_56 = arith.constant 0 : i32
        %dma_wait3A_57 = arith.constant 0 : i32
        %dma_wait3A_58 = tpu.memref_slice %arg9[%dma_wait3A_56, %dma_wait3A_57] : memref<208x128xf32, #tpu.memory_space<vmem>> -> memref<16x128xf32, #tpu.memory_space<vmem>>
        tpu.wait_dma2 semaphore(%run_scoped3A : memref<!tpu.dma_semaphore, #tpu.memory_space<semaphore_mem>>) src(%dma_wait3A_58 : memref<16x128xf32, #tpu.memory_space<vmem>>) dst(%dma_wait3A_55 : memref<16x128xf32, #tpu.memory_space<vmem_shared>>)
        tpu.yield
      }) : () -> ()
    } else {
    }
    %barrier3A = arith.constant 0 : index
    tpu.barrier barrier_id(%barrier3A)
    %mul3A_14 = arith.constant 16 : i32
    %mul3A_15 = arith.muli %arg0, %mul3A_14 : i32
    %add3A_16 = arith.addi %mul3A_15, %arg1 : i32
    %mul3A_17 = arith.constant 10000 : i32
    %mul3A_18 = arith.muli %add3A_16, %mul3A_17 : i32
    %scan3A_19 = arith.constant 0 : i32
    %scan3A_20 = arith.constant 0 : i32
    %scan3A_21 = arith.constant 125 : i32
    %scan3A_22 = arith.addi %scan3A_20, %scan3A_21 : i32
    %scan3A_23 = arith.constant 1 : i32
    scf.for %scan3A_37 = %scan3A_20 to %scan3A_22 step %scan3A_23  : i32 {
      %mul3A_38 = arith.constant 80 : i32
      %mul3A_39 = arith.muli %scan3A_37, %mul3A_38 : i32
      %add3A_40 = arith.addi %mul3A_18, %mul3A_39 : i32
      %multiple_of3A = tpu.assume_multiple %add3A_40, 80 : i32
      "tpu.region"() ({
        %run_scoped3A = tpu.sem_alloc : memref<!tpu.dma_semaphore, #tpu.memory_space<semaphore_mem>>
        %dma_start3A_45 = tpu.memref_slice %arg3[%multiple_of3A] : memref<320000xi32, #tpu.memory_space<hbm>> -> memref<80xi32, #tpu.memory_space<hbm>>
        %dma_start3A_46 = tpu.memref_slice %arg3[%multiple_of3A] : memref<320000xi32, #tpu.memory_space<hbm>> -> memref<80xi32, #tpu.memory_space<hbm>>
        tpu.enqueue_dma source(%dma_start3A_46 : memref<80xi32, #tpu.memory_space<hbm>>) target(%arg6 : memref<80xi32, #tpu.memory_space<vmem>>) target_semaphore(%run_scoped3A : memref<!tpu.dma_semaphore, #tpu.memory_space<semaphore_mem>>)
        %dma_wait3A_47 = tpu.memref_slice %arg3[%multiple_of3A] : memref<320000xi32, #tpu.memory_space<hbm>> -> memref<80xi32, #tpu.memory_space<hbm>>
        %dma_wait3A_48 = tpu.memref_slice %arg3[%multiple_of3A] : memref<320000xi32, #tpu.memory_space<hbm>> -> memref<80xi32, #tpu.memory_space<hbm>>
        tpu.wait_dma2 semaphore(%run_scoped3A : memref<!tpu.dma_semaphore, #tpu.memory_space<semaphore_mem>>) src(%dma_wait3A_48 : memref<80xi32, #tpu.memory_space<hbm>>) dst(%arg6 : memref<80xi32, #tpu.memory_space<vmem>>)
        tpu.yield
      }) : () -> ()
      "tpu.region"() ({
        %run_scoped3A = tpu.sem_alloc : memref<!tpu.dma_semaphore, #tpu.memory_space<semaphore_mem>>
        %dma_start3A_45 = tpu.memref_slice %arg4[%multiple_of3A] : memref<320000xi32, #tpu.memory_space<hbm>> -> memref<80xi32, #tpu.memory_space<hbm>>
        %dma_start3A_46 = tpu.memref_slice %arg4[%multiple_of3A] : memref<320000xi32, #tpu.memory_space<hbm>> -> memref<80xi32, #tpu.memory_space<hbm>>
        tpu.enqueue_dma source(%dma_start3A_46 : memref<80xi32, #tpu.memory_space<hbm>>) target(%arg7 : memref<80xi32, #tpu.memory_space<vmem>>) target_semaphore(%run_scoped3A : memref<!tpu.dma_semaphore, #tpu.memory_space<semaphore_mem>>)
        %dma_wait3A_47 = tpu.memref_slice %arg4[%multiple_of3A] : memref<320000xi32, #tpu.memory_space<hbm>> -> memref<80xi32, #tpu.memory_space<hbm>>
        %dma_wait3A_48 = tpu.memref_slice %arg4[%multiple_of3A] : memref<320000xi32, #tpu.memory_space<hbm>> -> memref<80xi32, #tpu.memory_space<hbm>>
        tpu.wait_dma2 semaphore(%run_scoped3A : memref<!tpu.dma_semaphore, #tpu.memory_space<semaphore_mem>>) src(%dma_wait3A_48 : memref<80xi32, #tpu.memory_space<hbm>>) dst(%arg7 : memref<80xi32, #tpu.memory_space<vmem>>)
        tpu.yield
      }) : () -> ()
      %dma_start3A = arith.constant 0 : i32
      %dma_start3A_41 = arith.constant 0 : i32
      %dma_start3A_42 = tpu.memref_slice %arg2[%dma_start3A, %dma_start3A_41] : memref<10000x128xf32, #tpu.memory_space<hbm>> -> memref<10000x128xf32, #tpu.memory_space<hbm>>
      tpu.enqueue_indirect_dma source(%dma_start3A_42 : memref<10000x128xf32, #tpu.memory_space<hbm>>) target(%arg8 : memref<80x128xf32, #tpu.memory_space<vmem>>) offsets(%arg6 : memref<80xi32, #tpu.memory_space<vmem>>) semaphore(%arg10 : memref<!tpu.dma_semaphore, #tpu.memory_space<semaphore_mem>>)
      %dma_wait3A = arith.constant 0 : i32
      %dma_wait3A_43 = arith.constant 0 : i32
      %dma_wait3A_44 = tpu.memref_slice %arg2[%dma_wait3A, %dma_wait3A_43] : memref<10000x128xf32, #tpu.memory_space<hbm>> -> memref<10000x128xf32, #tpu.memory_space<hbm>>
      tpu.wait_indirect_dma semaphore(%arg10 : memref<!tpu.dma_semaphore, #tpu.memory_space<semaphore_mem>>) src(%dma_wait3A_44 : memref<10000x128xf32, #tpu.memory_space<hbm>>) dst(%arg8 : memref<80x128xf32, #tpu.memory_space<vmem>>)
      "tpu.region"() ({
        %run_scoped3A = tpu.sem_alloc : memref<!tpu.dma_semaphore, #tpu.memory_space<semaphore_mem>>
        %dma_start3A_45 = arith.constant 0 : i32
        %dma_start3A_46 = arith.constant 0 : i32
        %dma_start3A_47 = tpu.memref_slice %arg11[%dma_start3A_45, %dma_start3A_46] : memref<10000x128xf32, #tpu.memory_space<vmem_shared>> -> memref<10000x128xf32, #tpu.memory_space<vmem_shared>>
        tpu.enqueue_indirect_dma source(%arg8 : memref<80x128xf32, #tpu.memory_space<vmem>>) target(%dma_start3A_47 : memref<10000x128xf32, #tpu.memory_space<vmem_shared>>) offsets(%arg7 : memref<80xi32, #tpu.memory_space<vmem>>) semaphore(%run_scoped3A : memref<!tpu.dma_semaphore, #tpu.memory_space<semaphore_mem>>) {add = true}
        %dma_wait3A_48 = arith.constant 0 : i32
        %dma_wait3A_49 = arith.constant 0 : i32
        %dma_wait3A_50 = tpu.memref_slice %arg11[%dma_wait3A_48, %dma_wait3A_49] : memref<10000x128xf32, #tpu.memory_space<vmem_shared>> -> memref<10000x128xf32, #tpu.memory_space<vmem_shared>>
        tpu.wait_indirect_dma semaphore(%run_scoped3A : memref<!tpu.dma_semaphore, #tpu.memory_space<semaphore_mem>>) src(%arg8 : memref<80x128xf32, #tpu.memory_space<vmem>>) dst(%dma_wait3A_50 : memref<10000x128xf32, #tpu.memory_space<vmem_shared>>)
        tpu.yield
      }) : () -> ()
    }
    %scan3A_24 = arith.constant 125 : i32
    %barrier3A_25 = arith.constant 0 : index
    tpu.barrier barrier_id(%barrier3A_25)
    %add3A_26 = arith.constant 0 : i32
    %add3A_27 = arith.addi %mul3A_6, %add3A_26 : i32
    "tpu.region"() ({
      %run_scoped3A = tpu.sem_alloc : memref<!tpu.dma_semaphore, #tpu.memory_space<semaphore_mem>>
      %dma_start3A = arith.constant 0 : i32
      %dma_start3A_37 = tpu.memref_slice %arg5[%arg0, %add3A_27, %dma_start3A] : memref<2x10000x128xf32, #tpu.memory_space<hbm>> -> memref<1x208x128xf32, #tpu.memory_space<hbm>>
      %dma_start3A_38 = tpu.memref_squeeze %dma_start3A_37 : memref<1x208x128xf32, #tpu.memory_space<hbm>> -> memref<208x128xf32, #tpu.memory_space<hbm>>
      %dma_start3A_39 = arith.constant 0 : i32
      %dma_start3A_40 = tpu.memref_slice %arg11[%add3A_27, %dma_start3A_39] : memref<10000x128xf32, #tpu.memory_space<vmem_shared>> -> memref<208x128xf32, #tpu.memory_space<vmem_shared>>
      tpu.enqueue_dma source(%dma_start3A_40 : memref<208x128xf32, #tpu.memory_space<vmem_shared>>) target(%dma_start3A_38 : memref<208x128xf32, #tpu.memory_space<hbm>>) target_semaphore(%run_scoped3A : memref<!tpu.dma_semaphore, #tpu.memory_space<semaphore_mem>>)
      %dma_wait3A = arith.constant 0 : i32
      %dma_wait3A_41 = tpu.memref_slice %arg5[%arg0, %add3A_27, %dma_wait3A] : memref<2x10000x128xf32, #tpu.memory_space<hbm>> -> memref<1x208x128xf32, #tpu.memory_space<hbm>>
      %dma_wait3A_42 = tpu.memref_squeeze %dma_wait3A_41 : memref<1x208x128xf32, #tpu.memory_space<hbm>> -> memref<208x128xf32, #tpu.memory_space<hbm>>
      %dma_wait3A_43 = arith.constant 0 : i32
      %dma_wait3A_44 = tpu.memref_slice %arg11[%add3A_27, %dma_wait3A_43] : memref<10000x128xf32, #tpu.memory_space<vmem_shared>> -> memref<208x128xf32, #tpu.memory_space<vmem_shared>>
      tpu.wait_dma2 semaphore(%run_scoped3A : memref<!tpu.dma_semaphore, #tpu.memory_space<semaphore_mem>>) src(%dma_wait3A_44 : memref<208x128xf32, #tpu.memory_space<vmem_shared>>) dst(%dma_wait3A_42 : memref<208x128xf32, #tpu.memory_space<hbm>>)
      tpu.yield
    }) : () -> ()
    %add3A_28 = arith.constant 208 : i32
    %add3A_29 = arith.addi %mul3A_6, %add3A_28 : i32
    "tpu.region"() ({
      %run_scoped3A = tpu.sem_alloc : memref<!tpu.dma_semaphore, #tpu.memory_space<semaphore_mem>>
      %dma_start3A = arith.constant 0 : i32
      %dma_start3A_37 = tpu.memref_slice %arg5[%arg0, %add3A_29, %dma_start3A] : memref<2x10000x128xf32, #tpu.memory_space<hbm>> -> memref<1x208x128xf32, #tpu.memory_space<hbm>>
      %dma_start3A_38 = tpu.memref_squeeze %dma_start3A_37 : memref<1x208x128xf32, #tpu.memory_space<hbm>> -> memref<208x128xf32, #tpu.memory_space<hbm>>
      %dma_start3A_39 = arith.constant 0 : i32
      %dma_start3A_40 = tpu.memref_slice %arg11[%add3A_29, %dma_start3A_39] : memref<10000x128xf32, #tpu.memory_space<vmem_shared>> -> memref<208x128xf32, #tpu.memory_space<vmem_shared>>
      tpu.enqueue_dma source(%dma_start3A_40 : memref<208x128xf32, #tpu.memory_space<vmem_shared>>) target(%dma_start3A_38 : memref<208x128xf32, #tpu.memory_space<hbm>>) target_semaphore(%run_scoped3A : memref<!tpu.dma_semaphore, #tpu.memory_space<semaphore_mem>>)
      %dma_wait3A = arith.constant 0 : i32
      %dma_wait3A_41 = tpu.memref_slice %arg5[%arg0, %add3A_29, %dma_wait3A] : memref<2x10000x128xf32, #tpu.memory_space<hbm>> -> memref<1x208x128xf32, #tpu.memory_space<hbm>>
      %dma_wait3A_42 = tpu.memref_squeeze %dma_wait3A_41 : memref<1x208x128xf32, #tpu.memory_space<hbm>> -> memref<208x128xf32, #tpu.memory_space<hbm>>
      %dma_wait3A_43 = arith.constant 0 : i32
      %dma_wait3A_44 = tpu.memref_slice %arg11[%add3A_29, %dma_wait3A_43] : memref<10000x128xf32, #tpu.memory_space<vmem_shared>> -> memref<208x128xf32, #tpu.memory_space<vmem_shared>>
      tpu.wait_dma2 semaphore(%run_scoped3A : memref<!tpu.dma_semaphore, #tpu.memory_space<semaphore_mem>>) src(%dma_wait3A_44 : memref<208x128xf32, #tpu.memory_space<vmem_shared>>) dst(%dma_wait3A_42 : memref<208x128xf32, #tpu.memory_space<hbm>>)
      tpu.yield
    }) : () -> ()
    %add3A_30 = arith.constant 416 : i32
    %add3A_31 = arith.addi %mul3A_6, %add3A_30 : i32
    "tpu.region"() ({
      %run_scoped3A = tpu.sem_alloc : memref<!tpu.dma_semaphore, #tpu.memory_space<semaphore_mem>>
      %dma_start3A = arith.constant 0 : i32
      %dma_start3A_37 = tpu.memref_slice %arg5[%arg0, %add3A_31, %dma_start3A] : memref<2x10000x128xf32, #tpu.memory_space<hbm>> -> memref<1x208x128xf32, #tpu.memory_space<hbm>>
      %dma_start3A_38 = tpu.memref_squeeze %dma_start3A_37 : memref<1x208x128xf32, #tpu.memory_space<hbm>> -> memref<208x128xf32, #tpu.memory_space<hbm>>
      %dma_start3A_39 = arith.constant 0 : i32
      %dma_start3A_40 = tpu.memref_slice %arg11[%add3A_31, %dma_start3A_39] : memref<10000x128xf32, #tpu.memory_space<vmem_shared>> -> memref<208x128xf32, #tpu.memory_space<vmem_shared>>
      tpu.enqueue_dma source(%dma_start3A_40 : memref<208x128xf32, #tpu.memory_space<vmem_shared>>) target(%dma_start3A_38 : memref<208x128xf32, #tpu.memory_space<hbm>>) target_semaphore(%run_scoped3A : memref<!tpu.dma_semaphore, #tpu.memory_space<semaphore_mem>>)
      %dma_wait3A = arith.constant 0 : i32
      %dma_wait3A_41 = tpu.memref_slice %arg5[%arg0, %add3A_31, %dma_wait3A] : memref<2x10000x128xf32, #tpu.memory_space<hbm>> -> memref<1x208x128xf32, #tpu.memory_space<hbm>>
      %dma_wait3A_42 = tpu.memref_squeeze %dma_wait3A_41 : memref<1x208x128xf32, #tpu.memory_space<hbm>> -> memref<208x128xf32, #tpu.memory_space<hbm>>
      %dma_wait3A_43 = arith.constant 0 : i32
      %dma_wait3A_44 = tpu.memref_slice %arg11[%add3A_31, %dma_wait3A_43] : memref<10000x128xf32, #tpu.memory_space<vmem_shared>> -> memref<208x128xf32, #tpu.memory_space<vmem_shared>>
      tpu.wait_dma2 semaphore(%run_scoped3A : memref<!tpu.dma_semaphore, #tpu.memory_space<semaphore_mem>>) src(%dma_wait3A_44 : memref<208x128xf32, #tpu.memory_space<vmem_shared>>) dst(%dma_wait3A_42 : memref<208x128xf32, #tpu.memory_space<hbm>>)
      tpu.yield
    }) : () -> ()
    %eq3A_32 = arith.constant 0 : i32
    %eq3A_33 = arith.cmpi eq, %arg1, %eq3A_32 : i32
    %convert_element_type3A_34 = arith.extui %eq3A_33 : i1 to i32
    %cond3A_35 = arith.constant 0 : i32
    %cond3A_36 = arith.cmpi ne, %convert_element_type3A_34, %cond3A_35 : i32
    scf.if %cond3A_36 {
      "tpu.region"() ({
        %run_scoped3A = tpu.sem_alloc : memref<!tpu.dma_semaphore, #tpu.memory_space<semaphore_mem>>
        %dma_start3A = arith.constant 9984 : i32
        %dma_start3A_37 = arith.constant 0 : i32
        %dma_start3A_38 = tpu.memref_slice %arg5[%arg0, %dma_start3A, %dma_start3A_37] : memref<2x10000x128xf32, #tpu.memory_space<hbm>> -> memref<1x16x128xf32, #tpu.memory_space<hbm>>
        %dma_start3A_39 = tpu.memref_squeeze %dma_start3A_38 : memref<1x16x128xf32, #tpu.memory_space<hbm>> -> memref<16x128xf32, #tpu.memory_space<hbm>>
        %dma_start3A_40 = arith.constant 9984 : i32
        %dma_start3A_41 = arith.constant 0 : i32
        %dma_start3A_42 = tpu.memref_slice %arg11[%dma_start3A_40, %dma_start3A_41] : memref<10000x128xf32, #tpu.memory_space<vmem_shared>> -> memref<16x128xf32, #tpu.memory_space<vmem_shared>>
        tpu.enqueue_dma source(%dma_start3A_42 : memref<16x128xf32, #tpu.memory_space<vmem_shared>>) target(%dma_start3A_39 : memref<16x128xf32, #tpu.memory_space<hbm>>) target_semaphore(%run_scoped3A : memref<!tpu.dma_semaphore, #tpu.memory_space<semaphore_mem>>)
        %dma_wait3A = arith.constant 9984 : i32
        %dma_wait3A_43 = arith.constant 0 : i32
        %dma_wait3A_44 = tpu.memref_slice %arg5[%arg0, %dma_wait3A, %dma_wait3A_43] : memref<2x10000x128xf32, #tpu.memory_space<hbm>> -> memref<1x16x128xf32, #tpu.memory_space<hbm>>
        %dma_wait3A_45 = tpu.memref_squeeze %dma_wait3A_44 : memref<1x16x128xf32, #tpu.memory_space<hbm>> -> memref<16x128xf32, #tpu.memory_space<hbm>>
        %dma_wait3A_46 = arith.constant 9984 : i32
        %dma_wait3A_47 = arith.constant 0 : i32
        %dma_wait3A_48 = tpu.memref_slice %arg11[%dma_wait3A_46, %dma_wait3A_47] : memref<10000x128xf32, #tpu.memory_space<vmem_shared>> -> memref<16x128xf32, #tpu.memory_space<vmem_shared>>
        tpu.wait_dma2 semaphore(%run_scoped3A : memref<!tpu.dma_semaphore, #tpu.memory_space<semaphore_mem>>) src(%dma_wait3A_48 : memref<16x128xf32, #tpu.memory_space<vmem_shared>>) dst(%dma_wait3A_45 : memref<16x128xf32, #tpu.memory_space<hbm>>)
        tpu.yield
      }) : () -> ()
    } else {
    }
    return
  }
}

module attributes {stable_mosaic.version = 14 : i64} {
  func.func @_tc_body(%arg0: i32, %arg1: memref<1000x128xf32, #tpu.memory_space<vmem>>, %arg2: memref<2x1000x128xf32, #tpu.memory_space<vmem>>, %arg3: memref<128x128xf32, #tpu.memory_space<vmem>>, %arg4: memref<128x128xf32, #tpu.memory_space<vmem>>, %arg5: memref<128x128xf32, #tpu.memory_space<vmem>>, %arg6: memref<1x128xf32, #tpu.memory_space<vmem>>, %arg7: memref<1x128xf32, #tpu.memory_space<vmem>>, %arg8: memref<1x128xf32, #tpu.memory_space<vmem>>, %arg9: memref<1000x128xf32, #tpu.memory_space<vmem>>) attributes {dimension_semantics = [#tpu.dimension_semantics<arbitrary>], iteration_bounds = array<i64: 10>, scalar_prefetch = 0 : i64, scratch_operands = 0 : i64, tpu.core_type = #tpu.core_type<tc>, window_params = [{transform_indices = @transform_0, window_bounds = array<i64: 1000, 128>}, {transform_indices = @transform_1, window_bounds = array<i64: 2, 1000, 128>}, {pipeline_mode = #tpu.pipeline_mode<synchronous>, transform_indices = @transform_2, window_bounds = array<i64: 128, 128>}, {pipeline_mode = #tpu.pipeline_mode<synchronous>, transform_indices = @transform_3, window_bounds = array<i64: 128, 128>}, {pipeline_mode = #tpu.pipeline_mode<synchronous>, transform_indices = @transform_4, window_bounds = array<i64: 128, 128>}, {pipeline_mode = #tpu.pipeline_mode<synchronous>, transform_indices = @transform_5, window_bounds = array<i64: 1, 128>}, {pipeline_mode = #tpu.pipeline_mode<synchronous>, transform_indices = @transform_6, window_bounds = array<i64: 1, 128>}, {pipeline_mode = #tpu.pipeline_mode<synchronous>, transform_indices = @transform_7, window_bounds = array<i64: 1, 128>}, {transform_indices = @transform_8, window_bounds = array<i64: 1000, 128>}]} {
    %get3A = arith.constant 0 : index
    %get3A_0 = arith.constant 0 : index
    %get3A_1 = vector.load %arg1[%get3A, %get3A_0] : memref<1000x128xf32, #tpu.memory_space<vmem>>, vector<1000x128xf32>
    %get3A_2 = arith.constant 0 : index
    %get3A_3 = arith.constant 0 : index
    %get3A_4 = arith.constant 0 : index
    %get3A_5 = vector.load %arg2[%get3A_2, %get3A_3, %get3A_4] : memref<2x1000x128xf32, #tpu.memory_space<vmem>>, vector<1x1000x128xf32>
    %get3A_6 = vector.shape_cast %get3A_5 : vector<1x1000x128xf32> to vector<1000x128xf32>
    %get3A_7 = arith.constant 1 : index
    %get3A_8 = arith.constant 0 : index
    %get3A_9 = arith.constant 0 : index
    %get3A_10 = vector.load %arg2[%get3A_7, %get3A_8, %get3A_9] : memref<2x1000x128xf32, #tpu.memory_space<vmem>>, vector<1x1000x128xf32>
    %get3A_11 = vector.shape_cast %get3A_10 : vector<1x1000x128xf32> to vector<1000x128xf32>
    %add3A = arith.addf %get3A_6, %get3A_11 : vector<1000x128xf32>
    %get3A_12 = arith.constant 0 : index
    %get3A_13 = arith.constant 0 : index
    %get3A_14 = vector.load %arg3[%get3A_12, %get3A_13] : memref<128x128xf32, #tpu.memory_space<vmem>>, vector<128x128xf32>
    %dot_general3A = arith.constant dense<0.000000e+00> : vector<1000x128xf32>
    %dot_general3A_15 = tpu.matmul %get3A_1, %get3A_14, %dot_general3A {dimension_numbers = #tpu.dot_dimension_numbers<[1], [0], [0], [1], [0, 0, 1, 1], [], []>, transpose_lhs_hint = false} : vector<1000x128xf32>, vector<128x128xf32>, vector<1000x128xf32> -> vector<1000x128xf32>
    %get3A_16 = arith.constant 0 : index
    %get3A_17 = arith.constant 0 : index
    %get3A_18 = vector.load %arg4[%get3A_16, %get3A_17] : memref<128x128xf32, #tpu.memory_space<vmem>>, vector<128x128xf32>
    %dot_general3A_19 = arith.constant dense<0.000000e+00> : vector<1000x128xf32>
    %dot_general3A_20 = tpu.matmul %add3A, %get3A_18, %dot_general3A_19 {dimension_numbers = #tpu.dot_dimension_numbers<[1], [0], [0], [1], [0, 0, 1, 1], [], []>, transpose_lhs_hint = false} : vector<1000x128xf32>, vector<128x128xf32>, vector<1000x128xf32> -> vector<1000x128xf32>
    %add3A_21 = arith.addf %dot_general3A_15, %dot_general3A_20 : vector<1000x128xf32>
    %get3A_22 = arith.constant 0 : index
    %get3A_23 = arith.constant 0 : index
    %get3A_24 = vector.load %arg6[%get3A_22, %get3A_23] : memref<1x128xf32, #tpu.memory_space<vmem>>, vector<1x128xf32>
    %add3A_25 = vector.broadcast %get3A_24 : vector<1x128xf32> to vector<1000x128xf32>
    %add3A_26 = arith.addf %add3A_21, %add3A_25 : vector<1000x128xf32>
    %get3A_27 = arith.constant 0 : index
    %get3A_28 = arith.constant 0 : index
    %get3A_29 = vector.load %arg5[%get3A_27, %get3A_28] : memref<128x128xf32, #tpu.memory_space<vmem>>, vector<128x128xf32>
    %dot_general3A_30 = arith.constant dense<0.000000e+00> : vector<1000x128xf32>
    %dot_general3A_31 = tpu.matmul %add3A_26, %get3A_29, %dot_general3A_30 {dimension_numbers = #tpu.dot_dimension_numbers<[1], [0], [0], [1], [0, 0, 1, 1], [], []>, transpose_lhs_hint = false} : vector<1000x128xf32>, vector<128x128xf32>, vector<1000x128xf32> -> vector<1000x128xf32>
    %mul3A = arith.mulf %add3A_26, %add3A_26 : vector<1000x128xf32>
    %dot_general3A_32 = arith.constant dense<0.000000e+00> : vector<1000x128xf32>
    %dot_general3A_33 = tpu.matmul %mul3A, %get3A_29, %dot_general3A_32 {dimension_numbers = #tpu.dot_dimension_numbers<[1], [0], [0], [1], [0, 0, 1, 1], [], []>, transpose_lhs_hint = false} : vector<1000x128xf32>, vector<128x128xf32>, vector<1000x128xf32> -> vector<1000x128xf32>
    %sub3A = arith.subf %add3A_26, %dot_general3A_31 : vector<1000x128xf32>
    %mul3A_34 = arith.mulf %dot_general3A_31, %dot_general3A_31 : vector<1000x128xf32>
    %sub3A_35 = arith.subf %dot_general3A_33, %mul3A_34 : vector<1000x128xf32>
    %add3A_36 = arith.constant 9.99999974E-6 : f32
    %add3A_37 = vector.broadcast %add3A_36 : f32 to vector<1000x128xf32>
    %add3A_38 = arith.addf %sub3A_35, %add3A_37 : vector<1000x128xf32>
    %rsqrt3A = math.rsqrt %add3A_38 : vector<1000x128xf32>
    %mul3A_39 = arith.mulf %sub3A, %rsqrt3A : vector<1000x128xf32>
    %get3A_40 = arith.constant 0 : index
    %get3A_41 = arith.constant 0 : index
    %get3A_42 = vector.load %arg7[%get3A_40, %get3A_41] : memref<1x128xf32, #tpu.memory_space<vmem>>, vector<1x128xf32>
    %mul3A_43 = vector.broadcast %get3A_42 : vector<1x128xf32> to vector<1000x128xf32>
    %mul3A_44 = arith.mulf %mul3A_39, %mul3A_43 : vector<1000x128xf32>
    %get3A_45 = arith.constant 0 : index
    %get3A_46 = arith.constant 0 : index
    %get3A_47 = vector.load %arg8[%get3A_45, %get3A_46] : memref<1x128xf32, #tpu.memory_space<vmem>>, vector<1x128xf32>
    %add3A_48 = vector.broadcast %get3A_47 : vector<1x128xf32> to vector<1000x128xf32>
    %add3A_49 = arith.addf %mul3A_44, %add3A_48 : vector<1000x128xf32>
    %max3A = arith.constant 0.000000e+00 : f32
    %max3A_50 = vector.broadcast %max3A : f32 to vector<1000x128xf32>
    %max3A_51 = arith.maximumf %add3A_49, %max3A_50 : vector<1000x128xf32>
    %swap3A = arith.constant 0 : index
    %swap3A_52 = arith.constant 0 : index
    %swap3A_53 = vector.load %arg9[%swap3A, %swap3A_52] : memref<1000x128xf32, #tpu.memory_space<vmem>>, vector<1000x128xf32>
    tpu.vector_store %arg9[%swap3A, %swap3A_52], %max3A_51 {strides = array<i32>} : memref<1000x128xf32, #tpu.memory_space<vmem>>, vector<1000x128xf32>,
    return
  }
  func.func @transform_0(%arg0: i32) -> (i32, i32) {
    %c0_i32 = arith.constant 0 : i32
    %c0_i32_0 = arith.constant 0 : i32
    return %arg0, %c0_i32 : i32, i32
  }
  func.func @transform_1(%arg0: i32) -> (i32, i32, i32) {
    %c0_i32 = arith.constant 0 : i32
    %c0_i32_0 = arith.constant 0 : i32
    %c0_i32_1 = arith.constant 0 : i32
    return %c0_i32, %arg0, %c0_i32_0 : i32, i32, i32
  }
  func.func @transform_2(%arg0: i32) -> (i32, i32) {
    %c0_i32 = arith.constant 0 : i32
    %c0_i32_0 = arith.constant 0 : i32
    %c0_i32_1 = arith.constant 0 : i32
    return %c0_i32, %c0_i32_0 : i32, i32
  }
  func.func @transform_3(%arg0: i32) -> (i32, i32) {
    %c0_i32 = arith.constant 0 : i32
    %c0_i32_0 = arith.constant 0 : i32
    %c0_i32_1 = arith.constant 0 : i32
    return %c0_i32, %c0_i32_0 : i32, i32
  }
  func.func @transform_4(%arg0: i32) -> (i32, i32) {
    %c0_i32 = arith.constant 0 : i32
    %c0_i32_0 = arith.constant 0 : i32
    %c0_i32_1 = arith.constant 0 : i32
    return %c0_i32, %c0_i32_0 : i32, i32
  }
  func.func @transform_5(%arg0: i32) -> (i32, i32) {
    %c0_i32 = arith.constant 0 : i32
    %c0_i32_0 = arith.constant 0 : i32
    %c0_i32_1 = arith.constant 0 : i32
    return %c0_i32, %c0_i32_0 : i32, i32
  }
  func.func @transform_6(%arg0: i32) -> (i32, i32) {
    %c0_i32 = arith.constant 0 : i32
    %c0_i32_0 = arith.constant 0 : i32
    %c0_i32_1 = arith.constant 0 : i32
    return %c0_i32, %c0_i32_0 : i32, i32
  }
  func.func @transform_7(%arg0: i32) -> (i32, i32) {
    %c0_i32 = arith.constant 0 : i32
    %c0_i32_0 = arith.constant 0 : i32
    %c0_i32_1 = arith.constant 0 : i32
    return %c0_i32, %c0_i32_0 : i32, i32
  }
  func.func @transform_8(%arg0: i32) -> (i32, i32) {
    %c0_i32 = arith.constant 0 : i32
    %c0_i32_0 = arith.constant 0 : i32
    return %arg0, %c0_i32 : i32, i32
  }
}

</mosaic_0001>

<sc_bundles>
// kernel: kernel.4.cloned.1.call-start
scs
__scs_entry_jumppad:
0x0: {  	(pc) =	sbr.rel $0x88, $3  }
0x1: {  	(tag) =	ssettag $0x0;
	lr =	simm.s32 $0x1  }
0x2: {  	[smem:$0x3F9A] =	sst lr;
	_ =	strace $0xD0000000  }
0x3: {  	_ = 	snop  }
0x4: {  	_ = 	snop  }
0x5: {  	_ = 	snop  }
0x6: {  	_ = 	snop  }
0x7: {  	_ = 	snop  }
__scs_overlays_trampoline_lowered:
0x8: {  	[smem:$0x3FA9] =	sst s0  }
0x9: {  	[smem:$0x3FAA] =	sst s1  }
0xa: {  	[smem:$0x3FAB] =	sst s2  }
0xb: {  	[smem:$0x3FAC] =	sst s3  }
0xc: {  	[smem:$0x3FAD] =	sst s4  }
0xd: {  	[smem:$0x3FAE] =	sst s5  }
0xe: {  	[smem:$0x3FAF] =	sst s6  }
0xf: {  	[smem:$0x3FB0] =	sst s7  }
0x10: {  	[smem:$0x3FB1] =	sst s8  }
0x11: {  	[smem:$0x3FB2] =	sst s9;
	s0 =	simm.s32 @!p0 $0x0  }
0x12: {  	s1 =	sld [smem:$0x3F98];
	s0 =	simm.s32 @p0 $0x1  }
0x13: {  	[smem:$0x3FB3] =	sst s0;
	s0 =	simm.s32 @!p1 $0x0  }
0x14: {  	s2 =	sld [smem:$0x3F97];
	s0 =	simm.s32 @p1 $0x1  }
0x15: {  	[smem:$0x3FB4] =	sst s0;
	s0 =	simm.s32 @!p2 $0x0  }
0x16: {  	s3 =	sld [smem:$0x3FDB];
	s0 =	simm.s32 @p2 $0x1  }
0x17: {  	s4 =	simm.s32 $0x1BF5;
	[smem:$0x3FB6] =	sst s0  }
0x18: {  	s0 =	sld [smem:$0x3F99];
	_ =	swait.ge [sflag:s4], $0x0  }
0x19: {  	s7 =	sld [smem:$0x3F9A]  }
0x1a: {  	s8 =	sadd.s32 $0xFFFFE003, lr  }
0x1b: {  	s9 =	sadd.s32 $0xFFFFFEF7, lr;
	s5 =	simm.s32 $0xFFFFFFFF;
	p2 =	slt.u32 s8, $0xFFFFF086  }
0x1c: {  	p1 =	slt.u32 s9, $0xF7A;
	s5 =	simm.s32 @!p2 $0x0  }
0x1d: {  	s5 =	simm.s32 @p1 $0x1;
	p0 =	seq.s32 s7, s2  }
0x1e: {  	s7 =	smul.u32 @!p0 $0xF7A, s2;
	p2 =	seq.s32 @!p0 s5, $0x0  }
0x1f: {  	s9 =	smul.u32 $0xF7A, s1;
	s8 =	simm.s32 @!p0 $0x1BF5;
	p2 =	por !p2, p0  }
0x20: {  	[sflag:s8] =	ssyncset.s32 @!p0 $0xFFFFF086;
	s6 =	sadd.s32 @!p0 s3, s7;
	s7 =	simm.s32 @!p0 $0x108  }
0x21: {  	s3 =	sadd.s32 s3, s9;
	s6 =	sadd.s32 @!p0 $0x88, s6;
	s7 =	simm.s32 @p2 $0x1082  }
0x22: {  	[simem:s7], [sflag:s8] =	dma.local @!p0 [hbm:s6], $0xF7A  }
0x23: {  	s9 =	sor.u32 $0xD0000000, s2;
	s6 =	simm.s32 $0x108;
	_ =	swait.ge @!p0 [sflag:s8], $0x0  }
0x24: {  	s3 =	sadd.s32 $0x88, s3;
	s6 =	simm.s32 @!p1 $0x1082;
	[sflag:s4] =	ssyncset.s32 $0xFFFFF086  }
0x25: {  	[simem:s6], [sflag:s4] =	dma.local [hbm:s3], $0xF7A  }
0x26: {  	[smem:$0x3F9A] =	sst s1;
	(tag) =	ssettag s2;
	_ =	strace s9  }
0x27: {  	s1 =	sld [smem:$0x3FAA]  }
0x28: {  	s2 =	sld [smem:$0x3FAB]  }
0x29: {  	s4 =	sld [smem:$0x3FAD]  }
0x2a: {  	p0 =	seq.s32 s5, $0x0;
	s5 =	sld [smem:$0x3FAE]  }
0x2b: {  	s6 =	sld [smem:$0x3FAF]  }
0x2c: {  	s7 =	sld [smem:$0x3FB0]  }
0x2d: {  	s3 =	simm.s32 $0x108;
	s8 =	sld [smem:$0x3FB1]  }
0x2e: {  	s3 =	simm.s32 @!p0 $0x1082;
	s9 =	sld [smem:$0x3FB2]  }
0x2f: {  	lr =	sadd.s32 s0, s3;
	s0 =	sld [smem:$0x3FA9]  }
0x30: {  	s3 =	sld [smem:$0x3FAC]  }
0x31: {  	[smem:$0x3FB5] =	sst s10  }
0x32: {  	s10 =	sld [smem:$0x3FB3];
	_ =	sdelay $0x3  }
0x33: {  	p0 =	seq.s32 s10, $0x1;
	s10 =	sld [smem:$0x3FB5];
	_ =	sdelay $0x3  }
0x34: {  	[smem:$0x3FB5] =	sst s10  }
0x35: {  	s10 =	sld [smem:$0x3FB4];
	_ =	sdelay $0x3  }
0x36: {  	p1 =	seq.s32 s10, $0x1;
	s10 =	sld [smem:$0x3FB5];
	_ =	sdelay $0x3  }
0x37: {  	[smem:$0x3FB5] =	sst s10  }
0x38: {  	s10 =	sld [smem:$0x3FB6]  }
0x39: {  	_ = 	snop;
	(pc) =	sbr.ind lr, $3  }
0x3a: {  	_ = 	snop  }
0x3b: {  	_ = 	snop  }
0x3c: {  	p2 =	seq.s32 s10, $0x1;
	s10 =	sld [smem:$0x3FB5]  }
0x3d: {  	_ =	shalt  }
0x3e: {  	_ =	shalt  }
0x3f: {  	_ =	shalt  }
0x40: {  	_ =	shalt  }
0x41: {  	_ =	shalt  }
0x42: {  	_ =	shalt  }
0x43: {  	_ =	shalt  }
0x44: {  	_ =	shalt  }
0x45: {  	_ =	shalt  }
0x46: {  	_ =	shalt  }
0x47: {  	_ =	shalt  }
0x48: {  	_ =	shalt  }
0x49: {  	_ =	shalt  }
0x4a: {  	_ =	shalt  }
0x4b: {  	_ =	shalt  }
0x4c: {  	_ =	shalt  }
0x4d: {  	_ =	shalt  }
0x4e: {  	_ =	shalt  }
0x4f: {  	_ =	shalt  }
0x50: {  	_ =	shalt  }
0x51: {  	_ =	shalt  }
0x52: {  	_ =	shalt  }
0x53: {  	_ =	shalt  }
0x54: {  	_ =	shalt  }
0x55: {  	_ =	shalt  }
0x56: {  	_ =	shalt  }
0x57: {  	_ =	shalt  }
0x58: {  	_ =	shalt  }
0x59: {  	_ =	shalt  }
0x5a: {  	_ =	shalt  }
0x5b: {  	_ =	shalt  }
0x5c: {  	_ =	shalt  }
0x5d: {  	_ =	shalt  }
0x5e: {  	_ =	shalt  }
0x5f: {  	_ =	shalt  }
0x60: {  	_ =	shalt  }
0x61: {  	_ =	shalt  }
0x62: {  	_ =	shalt  }
0x63: {  	_ =	shalt  }
0x64: {  	_ =	shalt  }
0x65: {  	_ =	shalt  }
0x66: {  	_ =	shalt  }
0x67: {  	_ =	shalt  }
0x68: {  	_ =	shalt  }
0x69: {  	_ =	shalt  }
0x6a: {  	_ =	shalt  }
0x6b: {  	_ =	shalt  }
0x6c: {  	_ =	shalt  }
0x6d: {  	_ =	shalt  }
0x6e: {  	_ =	shalt  }
0x6f: {  	_ =	shalt  }
0x70: {  	_ =	shalt  }
0x71: {  	_ =	shalt  }
0x72: {  	_ =	shalt  }
0x73: {  	_ =	shalt  }
0x74: {  	_ =	shalt  }
0x75: {  	_ =	shalt  }
0x76: {  	_ =	shalt  }
0x77: {  	_ =	shalt  }
0x78: {  	_ =	shalt  }
0x79: {  	_ =	shalt  }
0x7a: {  	_ =	shalt  }
0x7b: {  	_ =	shalt  }
0x7c: {  	_ =	shalt  }
0x7d: {  	_ =	shalt  }
0x7e: {  	_ =	shalt  }
0x7f: {  	_ =	shalt  }
0x80: {  	_ =	shalt  }
0x81: {  	_ =	shalt  }
0x82: {  	_ =	shalt  }
0x83: {  	_ =	shalt  }
0x84: {  	_ =	shalt  }
0x85: {  	_ =	shalt  }
0x86: {  	_ =	shalt  }
0x87: {  	_ =	shalt  }
.Lfunc_end0:
.L_simem_size_0:
called_computation_lowered:
.L_overlay_start_0:
0x88: {  	s2 =	sld [smem:$0x3FD9]  }
0x89: {  	s3 =	sld [smem:$0x3FFE];
	_ =	sdelay $0x1  }
0x8a: {  	s1 =	srdreg.scid  }
0x8b: {  	s0 =	sand.u32 $0x1, s1  }
0x8c: {  	s17 =	sshll.u32 s0, $0xA;
	s2 =	sadd.s32 s3, s2  }
0x8d: {  	s2 =	sadd.s32 s2, s17  }
0x8e: {  	[smem:$0x3FC1] =	sst s2  }
0x8f: {  	_ = 	snop  }
0x90: {  	s2 =	sld [smem:$0x3FC9]  }
0x91: {  	s18 =	sld [smem:$0x3FD0];
	(tm) =	ssettm $0x1  }
0x92: {  	s4 =	sld [smem:$0x3FFB];
	_ =	sdelay $0x3  }
0x93: {  	_ =	strace s4  }
0x94: {  	s4 =	sld [smem:$0x3FFC];
	_ =	sdelay $0x3  }
0x95: {  	_ =	strace s4  }
0x96: {  	s4 =	sld [smem:$0x3FFD];
	_ =	sdelay $0x3  }
0x97: {  	_ =	strace s4  }
0x98: {  	_ =	strace $0x8FFFFFFF  }
0x99: {  	s19 =	sld [smem:$0x3FDB];
	_ =	sdelay $0x1  }
0x9a: {  	s5 =	simm.s32 $_scs_section_size  }
0x9b: {  	s6 =	simm.s32 $_size__tile_overlayer_lowered;
	s7 =	simm.s32 $_tile_overlayer_lowered  }
0x9c: {  	s22 =	simm.s32 $0x1BFF;
	s21 =	sshll.u32 s7, $0x1;
	s4 =	sadd.s32 s5, s19  }
0x9d: {  	s8 =	simm.s32 $0x0;
	s20 =	sshll.u32 s6, $0x1;
	s6 =	sadd.s32 s21, s4  }
0x9e: {  	[timem:s8], [sflag:s22] =	dma.local [hbm:s6], s20  }
0x9f: {  	_ =	swait.ge [sflag:s22], s20  }
0xa0: {  	s5 =	ssub.s32 $0x0, s20;
	[sflag:s22] =	ssyncset.done $0x0  }
0xa1: {  	[sflag:s22] =	ssyncadd.s32 s5;
	_ =	sdelay $0x1  }
0xa2: {  	s23 =	simm.s32 $0x1B8B  }
0xa3: {  	_ =	swait.ge [sflag:s23], $0x1  }
0xa4: {  	[sflag:s23] =	ssyncset.done $0x0  }
0xa5: {  	s25 =	simm.s32 $0x1B8E;
	s24 =	sld [smem:$0x3FFE];
	[sflag:s23] =	ssyncadd.s32 $0xFFFFFFFF  }
0xa6: {  	s26 =	simm.s32 $execute0_lowered;
	[smem:$0x3FD2] =	sst s25  }
0xa7: {  	s6 =	sshll.u32 s26, $0x1;
	_ =	strace $0x80000046;
	[dreg:$0x1] =	wrdreg $0xFFFFFFFF  }
0xa8: {  	s28 =	simm.s32 $_size_execute0_lowered;
	s4 =	sadd.s32 s4, s6;
	[dreg:$0x0] =	wrdreg $0x0  }
0xa9: {  	s6 =	sshll.u32 s28, $0x1;
	[dreg:$0x2] =	wrdreg s4  }
0xaa: {  	[dreg:$0x3] =	wrdreg s6  }
0xab: {  	[dreg:$0x4] =	wrdreg $0xC0  }
0xac: {  	_ =	task [dreg:s8], $0x5FFFF  }
0xad: {  	[dreg:$0x1] =	wrdreg $0xFFFFFFFF  }
0xae: {  	[dreg:$0x0] =	wrdreg $0x60  }
0xaf: {  	[dreg:$0x2] =	wrdreg s2  }
0xb0: {  	[dreg:$0x3] =	wrdreg s24  }
0xb1: {  	[dreg:$0x4] =	wrdreg s18  }
0xb2: {  	[dreg:$0x5] =	wrdreg $0x91000  }
0xb3: {  	[dreg:$0x6] =	wrdreg $0x9  }
0xb4: {  	_ =	task.clear_ibuf [dreg:s8], $0x7FFFF;
	_ =	strace $0x90000046  }
0xb5: {  	s29 =	simm.s32 $0x9;
	_ =	strace $0x80000048  }
0xb6: {  	_ =	swait.ge [sflag:s29], $0x1  }
0xb7: {  	[sflag:s29] =	ssyncadd.s32 $0xFFFFFFFF  }
0xb8: {  	_ =	strace $0x90000048  }
0xb9: {  	_ =	sfence  }
0xba: {  	s30 =	sld [smem:$0x0];
	_ =	sdelay $0x2  }
0xbb: {  	s31 =	sshll.u32 s1, $0xD;
	s1 =	sshrl.u32 s1, $0x2  }
0xbc: {  	s3 =	sand.u32 $0x4000, s31;
	s1 =	sadd.s32 s1, s30  }
0xbd: {  	s0 =	sor.u32 s3, s0;
	s1 =	sshll.u32 s1, $0x11  }
0xbe: {  	s0 =	sor.u32 s1, s0  }
0xbf: {  	s0 =	sadd.s32 $0x8F2B, s0  }
0xc0: {  	[sflag:s0] =	ssyncadd.remote.s32 $0x1  }
0xc1: {  	_ =	sfence.sel $0xFFFF  }
0xc2: {  	[dreg:$0x0] =	wrdreg $0xFFFFFFFF;
	(pc) =	sbr.abs _section_cstart, $3  }
0xc3: {  	[dreg:$0x1] =	wrdreg $0xFFFFFFFF  }
0xc4: {  	_ =	task.clear_ibuf [dreg:s8], $0x2FFFF;
	_ =	strace $0x9FFFFFFF  }
0xc5: {  	(tm) =	ssettm $0x7FFFFFFF  }
tec
execute0_lowered:
.L_overlay_start_1:
0x0: {  	(tag) =	ssettag $0x1  }
0x1: {  	s0 =	rddreg [dreg:$0x0]  }
0x2: {  	s1 =	srdreg.scid;
	s5 =	rddreg [dreg:$0x1]  }
0x3: {  	s2 =	stileid.u32;
	s14 =	rddreg [dreg:$0x2]  }
0x4: {  	s3 =	rddreg [dreg:$0x3];
	s4 =	simm.s32 $0x0;
	s19 =	simm.s32 $0x50  }
0x5: {  	s20 =	simm.s32 $0x100;
	s21 =	simm.s32 $0x1;
	s8 =	smul.u32 $0x2710, s2  }
0x6: {  	s6 =	sand.u32 $0x1, s1;
	s1 =	rddreg [dreg:$0x4];
	s28 =	smul.u32 $0x4E000, s2  }
0x7: {  	s22 =	simm.s32 $0x0;
	[smem:$0x7FF] =	sst s4;
	s30 =	smul.u32 $0x13800, s2  }
0x8: {  	s12 =	sadd.s32 $0xB000, s5;
	p0 =	sne.s32 s2, $0x0;
	s7 =	smul.u32 $0x27100, s6  }
0x9: {  	_ =	strace $0x80000047;
	s29 =	ssub.s32 $0x2, s6;
	s10 =	smul.u32 $0x138800, s6  }
0xa: {  	s9 =	sshrl.u32 s29, $0x1;
	s11 =	sadd.s32 $0x6800, s30;
	s17 =	sadd.s32 $0xD000, s30  }
0xb: {  	s7 =	sadd.s32 s8, s7;
	s13 =	ssub.s32 s29, s9;
	s6 =	sadd.s32 s11, s3  }
0xc: {  	s31 =	sadd.s32 s30, s10;
	s8 =	sadd.s32 $0x138000, s3;
	s11 =	sadd.s32 s10, s11  }
0xd: {  	s18 =	sshrl.u32 s10, $0x3;
	s15 =	sshrl.u32 s7, $0x3;
	s7 =	sshrl.u32 s28, $0x2  }
0xe: {  	s9 =	sshrl.u32 s31, $0x3;
	s11 =	sshrl.u32 s11, $0x3;
	s13 =	smax.u32 s13, $0x1  }
0xf: {  	s16 =	sadd.s32 s15, s5;
	s5 =	sadd.s32 s7, s3;
	s7 =	sadd.s32 s17, s3  }
0x10: {  	s9 =	sadd.s32 s12, s9;
	s17 =	sadd.s32 s10, s17;
	s10 =	sadd.s32 s12, s11  }
0x11: {  	s14 =	sadd.s32 s15, s14;
	s17 =	sshrl.u32 s17, $0x3;
	s15 =	sadd.s32 $0x1200, s16  }
0x12: {  	s16 =	simm.s32 $0x2900;
	s11 =	sadd.s32 s12, s17;
	s12 =	sadd.s32 s12, s18  }
0x13: {  	v0 =	vimm.f32 $0.0e+00;
	s17 =	simm.s32 $0x2;
	s18 =	simm.s32 $0x80;
	s12 =	sadd.s32 $0x27000, s12  }
.LBB2_1:
0x14: {  	s23 =	sand.u32 $0x1FE00, s4  }
0x15: {  	s24 =	sand.u32 $0x70, s4;
	s25 =	sshrl.u32 s23, $0x2  }
0x16: {  	s23 =	simm.s32 $0x40;
	s25 =	sor.u32 s24, s25;
	s24 =	simm.s32 $0x0  }
.LBB2_2:
0x17: {  	p1 =	sne.s32 s23, $0x19FC0  }
0x18: {  	[tilespmem:s25+$0x2900] =	vst v0;
	s24 =	sadd.s32 $0x10, s24;
	s25 =	smov.u32 s23;
	s23 =	sadd.s32 $0x40, s23  }
.Ltmp0:
0x19: {  	(pc) =	sbr.rel @p1 .LBB2_2-.Ltmp0, $4  }
0x1a: {  	_ = 	snop  }
0x1b: {  	s25 =	sand.u32 $0x1FE00, s25  }
0x1c: {  	s26 =	sand.u32 $0x70, s24;
	s25 =	sshrl.u32 s25, $0x2  }
0x1d: {  	s25 =	sor.u32 s26, s25  }
0x1e: {  	[tilespmem:s25+$0x2900] =	vst v0  }
0x1f: {  	[spmem:s5] =	stream.linear.scatter [tilespmem:s16], [sflag:$0x2], $0x6800, $0x38;
	[tilespmem:$0x1C980] =	vst v63  }
0x20: {  	_ =	swait.ge [sflag:s17], $0x6800  }
0x21: {  	[sflag:s17] =	ssyncset.done $0x0  }
0x22: {  	[sflag:s17] =	ssyncadd.s32 $0xFFFF9800  }
0x23: {  	[spmem:s6] =	stream.linear.scatter [tilespmem:s16], [sflag:$0x2], $0x6800, $0x38;
	[tilespmem:$0x1C980] =	vst v63  }
0x24: {  	_ =	swait.ge [sflag:s17], $0x6800  }
0x25: {  	[sflag:s17] =	ssyncset.done $0x0  }
0x26: {  	[sflag:s17] =	ssyncadd.s32 $0xFFFF9800  }
0x27: {  	[spmem:s7] =	stream.linear.scatter [tilespmem:s16], [sflag:$0x2], $0x6800, $0x38;
	[tilespmem:$0x1C980] =	vst v63  }
0x28: {  	_ =	swait.ge [sflag:s17], $0x6800  }
0x29: {  	[sflag:s17] =	ssyncset.done $0x0  }
0x2a: {  	s23 =	simm.s32 @!p0 $0x2900;
	[sflag:s17] =	ssyncadd.s32 $0xFFFF9800  }
0x2b: {  	[spmem:s8] =	stream.linear.scatter @!p0 [tilespmem:s23], [sflag:$0x2], $0x800, $0x38;
	[tilespmem:$0x1C980] =	vst v63  }
0x2c: {  	s23 =	simm.s32 @!p0 $0x2  }
0x2d: {  	_ =	swait.ge @!p0 [sflag:s23], $0x800  }
0x2e: {  	[sflag:s23] =	ssyncset.done @!p0 $0x0  }
0x2f: {  	[sflag:s23] =	ssyncadd.s32 @!p0 $0xFFFFF800  }
0x30: {  	s30 =	sadd.s32 $0x0, s15;
	[bflag:$0x0] =	sbarrier.arrive $0xFFFF  }
0x31: {  	[tilespmem:s4], [sflag:$0x2] =	stream.linear.gather [hbm4b:s30+s4], $0x50, $0x38;
	[tilespmem:$0x1C980] =	vst v63  }
0x32: {  	_ =	swait.ge [sflag:s17], $0x50  }
0x33: {  	[sflag:s17] =	ssyncset.done $0x0  }
0x34: {  	s31 =	sadd.s32 $0x0, s14;
	[sflag:s17] =	ssyncadd.s32 $0xFFFFFFB0  }
0x35: {  	[tilespmem:s18], [sflag:$0x2] =	stream.linear.gather [hbm4b:s31+s4], $0x50, $0x38;
	[tilespmem:$0x1C980] =	vst v63  }
0x36: {  	_ =	swait.ge [sflag:s17], $0x50  }
0x37: {  	[sflag:s17] =	ssyncset.done $0x0  }
0x38: {  	[sflag:s17] =	ssyncadd.s32 $0xFFFFFFB0  }
0x39: {  	[tilespmem:s20], [sflag:$0x1] =	stream.indirect.gather [hbm4b:s0+s19], $0x80, s4, s19, $0xb8;
	[tilespmem:$0x1C980] =	vst v63  }
0x3a: {  	_ =	swait.ge [sflag:s21], $0x2800  }
0x3b: {  	[sflag:s21] =	ssyncset.done $0x0  }
0x3c: {  	[sflag:s21] =	ssyncadd.s32 $0xFFFFD800  }
0x3d: {  	[spmem:s3] =	stream.indirect.scatter.add.f32 [tilespmem:s20], [sflag:$0x2], $0x80, s18, s19, $0xb8;
	[tilespmem:$0x1C980] =	vst v63  }
0x3e: {  	_ =	swait.ge [sflag:s17], $0x2800  }
0x3f: {  	s24 =	simm.s32 $0x14;
	s23 =	simm.s32 $0xA;
	[sflag:s17] =	ssyncset.done $0x0  }
.LBB2_4:
0x40: {  	s25 =	sadd.s32 s23, s15  }
0x41: {  	[sflag:s17] =	ssyncadd.s32 $0xFFFFD800;
	s26 =	smov.u32 s24;
	s28 =	sadd.s32 $0xA, s24  }
0x42: {  	[tilespmem:s4], [sflag:$0x2] =	stream.linear.gather [hbm4b:s25+s4], $0x50, $0x38;
	[tilespmem:$0x1C980] =	vst v63  }
0x43: {  	p1 =	sne.s32 s24, $0x4D8;
	_ =	swait.ge [sflag:s17], $0x50  }
0x44: {  	[sflag:s17] =	ssyncset.done $0x0  }
0x45: {  	s24 =	sadd.s32 s23, s14;
	s23 =	smov.u32 s26;
	[sflag:s17] =	ssyncadd.s32 $0xFFFFFFB0  }
0x46: {  	[tilespmem:s18], [sflag:$0x2] =	stream.linear.gather [hbm4b:s24+s4], $0x50, $0x38;
	[tilespmem:$0x1C980] =	vst v63  }
0x47: {  	_ =	swait.ge [sflag:s17], $0x50  }
0x48: {  	[sflag:s17] =	ssyncset.done $0x0  }
0x49: {  	[sflag:s17] =	ssyncadd.s32 $0xFFFFFFB0  }
0x4a: {  	[tilespmem:s20], [sflag:$0x1] =	stream.indirect.gather [hbm4b:s0+s19], $0x80, s4, s19, $0xb8;
	[tilespmem:$0x1C980] =	vst v63  }
0x4b: {  	_ =	swait.ge [sflag:s21], $0x2800  }
.Ltmp1:
0x4c: {  	[sflag:s21] =	ssyncset.done $0x0;
	(pc) =	sbr.rel @p1 .LBB2_4-.Ltmp1, $4  }
0x4d: {  	[sflag:s21] =	ssyncadd.s32 $0xFFFFD800  }
0x4e: {  	[spmem:s3] =	stream.indirect.scatter.add.f32 [tilespmem:s20], [sflag:$0x2], $0x80, s18, s19, $0xb8;
	[tilespmem:$0x1C980] =	vst v63  }
0x4f: {  	_ =	swait.ge [sflag:s17], $0x2800  }
0x50: {  	s24 =	smov.u32 s28;
	[sflag:s17] =	ssyncset.done $0x0  }
0x51: {  	s24 =	sadd.s32 s23, s15;
	[sflag:s17] =	ssyncadd.s32 $0xFFFFD800  }
0x52: {  	[tilespmem:s4], [sflag:$0x2] =	stream.linear.gather [hbm4b:s24+s4], $0x50, $0x38;
	[tilespmem:$0x1C980] =	vst v63  }
0x53: {  	_ =	swait.ge [sflag:s17], $0x50  }
0x54: {  	[sflag:s17] =	ssyncset.done $0x0  }
0x55: {  	s26 =	sadd.s32 s23, s14;
	[sflag:s17] =	ssyncadd.s32 $0xFFFFFFB0  }
0x56: {  	[tilespmem:s18], [sflag:$0x2] =	stream.linear.gather [hbm4b:s26+s4], $0x50, $0x38;
	[tilespmem:$0x1C980] =	vst v63  }
0x57: {  	_ =	swait.ge [sflag:s17], $0x50  }
0x58: {  	[sflag:s17] =	ssyncset.done $0x0  }
0x59: {  	[sflag:s17] =	ssyncadd.s32 $0xFFFFFFB0  }
0x5a: {  	[tilespmem:s20], [sflag:$0x1] =	stream.indirect.gather [hbm4b:s0+s19], $0x80, s4, s19, $0xb8;
	[tilespmem:$0x1C980] =	vst v63  }
0x5b: {  	_ =	swait.ge [sflag:s21], $0x2800  }
0x5c: {  	[sflag:s21] =	ssyncset.done $0x0  }
0x5d: {  	[sflag:s21] =	ssyncadd.s32 $0xFFFFD800  }
0x5e: {  	[spmem:s3] =	stream.indirect.scatter.add.f32 [tilespmem:s20], [sflag:$0x2], $0x80, s18, s19, $0xb8;
	[tilespmem:$0x1C980] =	vst v63  }
0x5f: {  	_ =	swait.ge [sflag:s17], $0x2800  }
0x60: {  	[sflag:s17] =	ssyncset.done $0x0  }
0x61: {  	s28 =	sshll.u32 s2, $0x6;
	[sflag:s17] =	ssyncadd.s32 $0xFFFFD800  }
0x62: {  	s29 =	sshrl.u32 s5, $0x3;
	s23 =	sor.u32 $0x1C02, s28;
	[bflag:$0x0] =	sbarrier.arrive $0xFFFF  }
0x63: {  	[hbm:s9], [sflag:s23] =	dma.local [spmem:s29], $0xD00  }
0x64: {  	_ =	swait.ge [sflag:s17], $0xD00  }
0x65: {  	[sflag:s17] =	ssyncset.done $0x0  }
0x66: {  	s30 =	sshrl.u32 s6, $0x3;
	[sflag:s17] =	ssyncadd.s32 $0xFFFFF300  }
0x67: {  	[hbm:s10], [sflag:s23] =	dma.local [spmem:s30], $0xD00  }
0x68: {  	_ =	swait.ge [sflag:s17], $0xD00  }
0x69: {  	[sflag:s17] =	ssyncset.done $0x0  }
0x6a: {  	s31 =	sshrl.u32 s7, $0x3;
	[sflag:s17] =	ssyncadd.s32 $0xFFFFF300  }
0x6b: {  	[hbm:s11], [sflag:s23] =	dma.local [spmem:s31], $0xD00  }
0x6c: {  	_ =	swait.ge [sflag:s17], $0xD00  }
0x6d: {  	s22 =	sadd.s32 $0x1, s22;
	[sflag:s17] =	ssyncset.done $0x0  }
0x6e: {  	s24 =	sshrl.u32 @!p0 s8, $0x3;
	p1 =	sne.s32 s22, s13;
	[sflag:s17] =	ssyncadd.s32 $0xFFFFF300  }
0x6f: {  	[hbm:s12], [sflag:s23] =	dma.local @!p0 [spmem:s24], $0x100  }
.Ltmp2:
0x70: {  	_ = 	snop;
	(pc) =	sbr.rel @p1 .LBB2_1-.Ltmp2, $4  }
0x71: {  	s23 =	simm.s32 @!p0 $0x2  }
0x72: {  	_ =	swait.ge @!p0 [sflag:s23], $0x100  }
0x73: {  	[sflag:s23] =	ssyncset.done @!p0 $0x0  }
0x74: {  	[sflag:s23] =	ssyncadd.s32 @!p0 $0xFFFFFF00  }
0x75: {  	_ =	sfence.sel $0x180000  }
0x76: {  	[bflag:$0x0] =	sbarrier.arrive $0xFFFF  }
0x77: {  	_ =	strace $0x90000047  }
0x78: {  	s0 =	sadd.s32 @!p0 $0x100000, s1;
	[bflag:$0x2] =	sbarrier.arrive $0xFFFF  }
0x79: {  	[sflag:s0] =	ssyncadd.tile.s32 @!p0 $0x1;
	_ =	shalt  }
.Lfunc_end2:
_tile_overlayer_lowered:
.L_overlay_start_2:
0x7a: {  	(tag) =	ssettag $0x2  }
0x7b: {  	s0 =	rddreg [dreg:$0x0];
	s2 =	stileid.u32  }
0x7c: {  	s1 =	rddreg [dreg:$0x1];
	p0 =	sne.s32 s2, $0x0  }
0x7d: {  	s3 =	rddreg [dreg:$0x2];
	[bflag:$0x3] =	sbarrier.arrive $0xFFFF;
	s2 =	simm.s32 @!p0 $0x1C02  }
0x7e: {  	[timem:s3], [sflag:s2] =	dma.local @!p0 [hbm:s0], s1  }
0x7f: {  	s0 =	simm.s32 @!p0 $0x2  }
0x80: {  	_ =	swait.ge @!p0 [sflag:s0], s1  }
0x81: {  	s1 =	ssub.s32 @!p0 $0x0, s1;
	[sflag:s0] =	ssyncset.done @!p0 $0x0  }
0x82: {  	[sflag:s0] =	ssyncadd.s32 @!p0 s1  }
0x83: {  	[bflag:$0x3] =	sbarrier.arrive $0xFFFF  }
0x84: {  	_ =	shalt  }

</sc_bundles>
